<compile_context>
chip_gen: v7x
topology: tpu7x:2x2x1
jax: 0.10.2.dev20260603
libtpu: 0.0.44.dev20260713+nightly
codegen_flags: <defaults>
</compile_context>

<pallas_src>
import functools

import jax
import jax.numpy as jnp
from jax import lax
from jax.experimental import pallas as pl
from jax.experimental.pallas import tpu as pltpu
from jax.experimental.pallas import tpu_sc as plsc

B = 64
P = 8192
D = 128
K = 64



def _sim_body(lf_ref, proto_ref, nrm_ref, sim_ref):
    x = lf_ref[0]
    p = proto_ref[0]
    pn = p / (jnp.sqrt(jnp.sum(p * p)) + 1e-8)
    nrc = jnp.transpose(nrm_ref[0], (1, 0))
    ln = x / (nrc + 1e-8)
    lnb = ln.astype(jnp.bfloat16).astype(jnp.float32)
    pnb = pn.astype(jnp.bfloat16).astype(jnp.float32)
    sim_ref[0, 0] = jnp.sum(lnb * pnb, axis=1)


def _sim(local_features, prototypes):
    nrm = jnp.linalg.norm(local_features, axis=-1)[:, None, :]
    out = pl.pallas_call(
        _sim_body,
        grid=(B,),
        in_specs=[
            pl.BlockSpec((1, P, D), lambda b: (b, 0, 0)),
            pl.BlockSpec((1, 1, D), lambda b: (b, 0, 0)),
            pl.BlockSpec((1, 1, P), lambda b: (b, 0, 0)),
        ],
        out_specs=pl.BlockSpec((1, 1, P), lambda b: (b, 0, 0)),
        out_shape=jax.ShapeDtypeStruct((B, 1, P), jnp.float32),
    )(local_features, prototypes, nrm)
    return out.reshape(B, P)



def _topk_body(sim_ref, ti_ref, bi_ref, st_ref, sb_ref):
    iota = lax.broadcasted_iota(jnp.int32, (B, P), 1)
    kio = lax.broadcasted_iota(jnp.int32, (B, K), 1)
    inf = jnp.float32(jnp.inf)
    s0 = sim_ref[...]
    st_ref[...] = s0
    sb_ref[...] = s0
    vt0 = jnp.max(s0, axis=1, keepdims=True)
    vb0 = jnp.min(s0, axis=1, keepdims=True)

    def step(k, carry):
        ti, bi, vt, vb = carry
        st = st_ref[...]
        sb = sb_ref[...]
        it = jnp.min(jnp.where(st == vt, iota, P), axis=1, keepdims=True)
        ib = jnp.min(jnp.where(sb == vb, iota, P), axis=1, keepdims=True)
        st2 = jnp.where(iota == it, -inf, st)
        sb2 = jnp.where(iota == ib, inf, sb)
        st_ref[...] = st2
        sb_ref[...] = sb2
        vt2 = jnp.max(st2, axis=1, keepdims=True)
        vb2 = jnp.min(sb2, axis=1, keepdims=True)
        sel = kio == k
        ti = jnp.where(sel, it, ti)
        bi = jnp.where(sel, ib, bi)
        return ti, bi, vt2, vb2

    zero = jnp.zeros((B, K), jnp.int32)
    ti, bi, _, _ = lax.fori_loop(0, K, step, (zero, zero, vt0, vb0))
    ti_ref[...] = ti
    bi_ref[...] = bi


def _topk(sim):
    return pl.pallas_call(
        _topk_body,
        out_shape=[
            jax.ShapeDtypeStruct((B, K), jnp.int32),
            jax.ShapeDtypeStruct((B, K), jnp.int32),
        ],
        scratch_shapes=[
            pltpu.VMEM((B, P), jnp.float32),
            pltpu.VMEM((B, P), jnp.float32),
        ],
    )(sim)



_NROWS = 2 * B * K


@functools.cache
def _make_sc_gather():
    info = plsc.get_sparse_core_info()
    nw = info.num_cores * info.num_subcores
    bpw = _NROWS // nw
    mesh = plsc.VectorSubcoreMesh(core_axis_name="c", subcore_axis_name="s")

    @functools.partial(
        pl.kernel,
        mesh=mesh,
        out_type=jax.ShapeDtypeStruct((_NROWS, D), jnp.float32),
        scratch_types=[
            pltpu.VMEM((bpw,), jnp.int32),
            pltpu.VMEM((bpw, D), jnp.float32),
            pltpu.SemaphoreType.DMA,
        ],
    )
    def gather(table_hbm, idx_hbm, out_hbm, idx_v, rows_v, sem):
        wid = lax.axis_index("s") * info.num_cores + lax.axis_index("c")
        base = wid * bpw
        pltpu.sync_copy(idx_hbm.at[pl.ds(base, bpw)], idx_v)
        pltpu.async_copy(table_hbm.at[idx_v], rows_v, sem).wait()
        pltpu.sync_copy(rows_v, out_hbm.at[pl.ds(base, bpw)])

    return gather



@jax.jit
def kernel(local_features, prototypes):
    sim = _sim(local_features, prototypes)
    ti, bi = _topk(sim)
    offs = (jnp.arange(B, dtype=jnp.int32) * P)[:, None]
    flat_idx = jnp.concatenate([ti + offs, bi + offs], axis=0).reshape(-1)
    table = local_features.reshape(B * P, D)
    rows = _make_sc_gather()(table, flat_idx).reshape(2, B, K, D)
    return rows[0], rows[1], ti, bi

# --- scband reference (transcript-rebuilt; emitter-appended) ---
"""Pipeline reference for scband-lesion-region-selector-26439818674305 (READ-ONLY COPY).

The authoritative reference and input builder live on the scoring server;
editing this copy changes nothing except your own understanding.
"""

import jax, jax.numpy as jnp
import numpy as np

TOP_K = 64
BOTTOM_K = 64

def setup_inputs(seed: int = 0) -> dict:
    key = jax.random.key(seed)
    k1, k2 = jax.random.split(key)
    local_features = jax.random.normal(k1, (64, 8192, 128), dtype=jnp.float32)
    prototypes = jax.random.normal(k2, (64, 1, 128), dtype=jnp.float32)
    return {"local_features": local_features, "prototypes": prototypes}

def reference(local_features, prototypes):
    # normalize_before_sim=True
    local_norm = local_features / (jnp.linalg.norm(local_features, axis=-1, keepdims=True) + 1e-08)
    proto_norm = prototypes / (jnp.linalg.norm(prototypes, axis=-1, keepdims=True) + 1e-08)
    # cosine similarity: bmm(local_norm, proto_norm^T) -> [B, P, C]
    sim = jnp.einsum('bpd,bcd->bpc', local_norm, proto_norm)
    sim = sim.mean(axis=-1)  # [B, P]
    top_k = min(TOP_K, sim.shape[-1])
    bottom_k = min(BOTTOM_K, sim.shape[-1])
    _, top_k_indices = jax.lax.top_k(sim, top_k)          # [B, top_k]
    _, bottom_k_indices = jax.lax.top_k(-sim, bottom_k)   # bottom-k = top-k of negated sim
    top_k_features = jnp.take_along_axis(local_features, top_k_indices[:, :, None], axis=1)
    bottom_k_features = jnp.take_along_axis(local_features, bottom_k_indices[:, :, None], axis=1)
    return (top_k_features, bottom_k_features, top_k_indices, bottom_k_indices)

if __name__ == "__main__":
    import jax
    _d = setup_inputs()
    print(jax.jit(kernel)(*tuple(_d.values())))

</pallas_src>

<mosaic_0001>
#map = affine_map<(d0, d1) -> (0, 0)>
#map1 = affine_map<(d0, d1) -> (0)>
module attributes {stable_mosaic.version = 14 : i64} {
  func.func @gather(%arg0: i32, %arg1: i32, %arg2: memref<524288x128xf32, #tpu.memory_space<hbm>>, %arg3: memref<8192xi32, #tpu.memory_space<hbm>>, %arg4: memref<8192x128xf32, #tpu.memory_space<hbm>>, %arg5: memref<256xi32, #tpu.memory_space<vmem>>, %arg6: memref<256x128xf32, #tpu.memory_space<vmem>>, %arg7: memref<!tpu.dma_semaphore, #tpu.memory_space<semaphore_mem>>) attributes {dimension_semantics = [#tpu.dimension_semantics<core_parallel>, #tpu.dimension_semantics<subcore_parallel>], iteration_bounds = array<i64: 2, 16>, scalar_prefetch = 0 : i64, scratch_operands = 3 : i64, tpu.core_type = #tpu.core_type<sc_vector_subcore>, window_params = [{transform_indices = #map}, {transform_indices = #map1}, {transform_indices = #map}]} {
    %mul3A = arith.constant 2 : i32
    %mul3A_0 = arith.muli %arg1, %mul3A : i32
    %add3A = arith.addi %mul3A_0, %arg0 : i32
    %mul3A_1 = arith.constant 256 : i32
    %mul3A_2 = arith.muli %add3A, %mul3A_1 : i32
    "tpu.region"() ({
      %run_scoped3A = tpu.sem_alloc : memref<!tpu.dma_semaphore, #tpu.memory_space<semaphore_mem>>
      %dma_start3A_7 = tpu.memref_slice %arg3[%mul3A_2] : memref<8192xi32, #tpu.memory_space<hbm>> -> memref<256xi32, #tpu.memory_space<hbm>>
      %dma_start3A_8 = tpu.memref_slice %arg3[%mul3A_2] : memref<8192xi32, #tpu.memory_space<hbm>> -> memref<256xi32, #tpu.memory_space<hbm>>
      tpu.enqueue_dma source(%dma_start3A_8 : memref<256xi32, #tpu.memory_space<hbm>>) target(%arg5 : memref<256xi32, #tpu.memory_space<vmem>>) target_semaphore(%run_scoped3A : memref<!tpu.dma_semaphore, #tpu.memory_space<semaphore_mem>>)
      %dma_wait3A_9 = tpu.memref_slice %arg3[%mul3A_2] : memref<8192xi32, #tpu.memory_space<hbm>> -> memref<256xi32, #tpu.memory_space<hbm>>
      %dma_wait3A_10 = tpu.memref_slice %arg3[%mul3A_2] : memref<8192xi32, #tpu.memory_space<hbm>> -> memref<256xi32, #tpu.memory_space<hbm>>
      tpu.wait_dma2 semaphore(%run_scoped3A : memref<!tpu.dma_semaphore, #tpu.memory_space<semaphore_mem>>) src(%dma_wait3A_10 : memref<256xi32, #tpu.memory_space<hbm>>) dst(%arg5 : memref<256xi32, #tpu.memory_space<vmem>>)
      tpu.yield
    }) : () -> ()
    %dma_start3A = arith.constant 0 : i32
    %dma_start3A_3 = arith.constant 0 : i32
    %dma_start3A_4 = tpu.memref_slice %arg2[%dma_start3A, %dma_start3A_3] : memref<524288x128xf32, #tpu.memory_space<hbm>> -> memref<524288x128xf32, #tpu.memory_space<hbm>>
    tpu.enqueue_indirect_dma source(%dma_start3A_4 : memref<524288x128xf32, #tpu.memory_space<hbm>>) target(%arg6 : memref<256x128xf32, #tpu.memory_space<vmem>>) offsets(%arg5 : memref<256xi32, #tpu.memory_space<vmem>>) semaphore(%arg7 : memref<!tpu.dma_semaphore, #tpu.memory_space<semaphore_mem>>)
    %dma_wait3A = arith.constant 0 : i32
    %dma_wait3A_5 = arith.constant 0 : i32
    %dma_wait3A_6 = tpu.memref_slice %arg2[%dma_wait3A, %dma_wait3A_5] : memref<524288x128xf32, #tpu.memory_space<hbm>> -> memref<524288x128xf32, #tpu.memory_space<hbm>>
    tpu.wait_indirect_dma semaphore(%arg7 : memref<!tpu.dma_semaphore, #tpu.memory_space<semaphore_mem>>) src(%dma_wait3A_6 : memref<524288x128xf32, #tpu.memory_space<hbm>>) dst(%arg6 : memref<256x128xf32, #tpu.memory_space<vmem>>)
    "tpu.region"() ({
      %run_scoped3A = tpu.sem_alloc : memref<!tpu.dma_semaphore, #tpu.memory_space<semaphore_mem>>
      %dma_start3A_7 = arith.constant 0 : i32
      %dma_start3A_8 = tpu.memref_slice %arg4[%mul3A_2, %dma_start3A_7] : memref<8192x128xf32, #tpu.memory_space<hbm>> -> memref<256x128xf32, #tpu.memory_space<hbm>>
      %dma_start3A_9 = arith.constant 0 : i32
      %dma_start3A_10 = tpu.memref_slice %arg4[%mul3A_2, %dma_start3A_9] : memref<8192x128xf32, #tpu.memory_space<hbm>> -> memref<256x128xf32, #tpu.memory_space<hbm>>
      tpu.enqueue_dma source(%arg6 : memref<256x128xf32, #tpu.memory_space<vmem>>) target(%dma_start3A_10 : memref<256x128xf32, #tpu.memory_space<hbm>>) target_semaphore(%run_scoped3A : memref<!tpu.dma_semaphore, #tpu.memory_space<semaphore_mem>>)
      %dma_wait3A_11 = arith.constant 0 : i32
      %dma_wait3A_12 = tpu.memref_slice %arg4[%mul3A_2, %dma_wait3A_11] : memref<8192x128xf32, #tpu.memory_space<hbm>> -> memref<256x128xf32, #tpu.memory_space<hbm>>
      %dma_wait3A_13 = arith.constant 0 : i32
      %dma_wait3A_14 = tpu.memref_slice %arg4[%mul3A_2, %dma_wait3A_13] : memref<8192x128xf32, #tpu.memory_space<hbm>> -> memref<256x128xf32, #tpu.memory_space<hbm>>
      tpu.wait_dma2 semaphore(%run_scoped3A : memref<!tpu.dma_semaphore, #tpu.memory_space<semaphore_mem>>) src(%arg6 : memref<256x128xf32, #tpu.memory_space<vmem>>) dst(%dma_wait3A_14 : memref<256x128xf32, #tpu.memory_space<hbm>>)
      tpu.yield
    }) : () -> ()
    return
  }
}

module attributes {stable_mosaic.version = 14 : i64} {
  func.func @_sim_body(%arg0: i32, %arg1: memref<1x8192x128xf32, #tpu.memory_space<vmem>>, %arg2: memref<1x1x128xf32, #tpu.memory_space<vmem>>, %arg3: memref<1x1x8192xf32, #tpu.memory_space<vmem>>, %arg4: memref<1x1x8192xf32, #tpu.memory_space<vmem>>) attributes {dimension_semantics = [#tpu.dimension_semantics<arbitrary>], iteration_bounds = array<i64: 64>, scalar_prefetch = 0 : i64, scratch_operands = 0 : i64, tpu.core_type = #tpu.core_type<tc>, window_params = [{transform_indices = @transform_0, window_bounds = array<i64: 1, 8192, 128>}, {transform_indices = @transform_1, window_bounds = array<i64: 1, 1, 128>}, {transform_indices = @transform_2, window_bounds = array<i64: 1, 1, 8192>}, {transform_indices = @transform_3, window_bounds = array<i64: 1, 1, 8192>}]} {
    %get3A = arith.constant 0 : index
    %get3A_0 = arith.constant 0 : index
    %get3A_1 = arith.constant 0 : index
    %get3A_2 = vector.load %arg1[%get3A, %get3A_0, %get3A_1] : memref<1x8192x128xf32, #tpu.memory_space<vmem>>, vector<1x8192x128xf32>
    %get3A_3 = vector.shape_cast %get3A_2 : vector<1x8192x128xf32> to vector<8192x128xf32>
    %get3A_4 = arith.constant 0 : index
    %get3A_5 = arith.constant 0 : index
    %get3A_6 = arith.constant 0 : index
    %get3A_7 = vector.load %arg2[%get3A_4, %get3A_5, %get3A_6] : memref<1x1x128xf32, #tpu.memory_space<vmem>>, vector<1x1x128xf32>
    %get3A_8 = vector.shape_cast %get3A_7 : vector<1x1x128xf32> to vector<1x128xf32>
    %mul3A = arith.mulf %get3A_8, %get3A_8 : vector<1x128xf32>
    %reduce_sum3A = vector.shape_cast %mul3A : vector<1x128xf32> to vector<1x1x128xf32>
    %reduce_sum3A_9 = arith.constant dense<0.000000e+00> : vector<1xf32>
    %reduce_sum3A_10 = vector.multi_reduction <add>, %reduce_sum3A, %reduce_sum3A_9 [1, 2] : vector<1x1x128xf32> to vector<1xf32>
    %reduce_sum3A_11 = vector.shape_cast %reduce_sum3A_10 : vector<1xf32> to vector<1x1x1xf32>
    %reduce_sum3A_12 = vector.extract %reduce_sum3A_11[0, 0, 0] : f32 from vector<1x1x1xf32>
    %sqrt3A = math.sqrt %reduce_sum3A_12 : f32
    %add3A = arith.constant 9.99999993E-9 : f32
    %add3A_13 = arith.addf %sqrt3A, %add3A : f32
    %div3A = vector.broadcast %add3A_13 : f32 to vector<1x128xf32>
    %div3A_14 = arith.divf %get3A_8, %div3A : vector<1x128xf32>
    %get3A_15 = arith.constant 0 : index
    %get3A_16 = arith.constant 0 : index
    %get3A_17 = arith.constant 0 : index
    %get3A_18 = vector.load %arg3[%get3A_15, %get3A_16, %get3A_17] : memref<1x1x8192xf32, #tpu.memory_space<vmem>>, vector<1x1x8192xf32>
    %get3A_19 = vector.shape_cast %get3A_18 : vector<1x1x8192xf32> to vector<1x8192xf32>
    %transpose3A = tpu.transpose %get3A_19, [1, 0] : vector<1x8192xf32> -> vector<8192x1xf32>
    %add3A_20 = arith.constant 9.99999993E-9 : f32
    %add3A_21 = vector.broadcast %add3A_20 : f32 to vector<8192x1xf32>
    %add3A_22 = arith.addf %transpose3A, %add3A_21 : vector<8192x1xf32>
    %div3A_23 = vector.broadcast %add3A_22 : vector<8192x1xf32> to vector<8192x128xf32>
    %div3A_24 = arith.divf %get3A_3, %div3A_23 : vector<8192x128xf32>
    %convert_element_type3A = arith.truncf %div3A_24 : vector<8192x128xf32> to vector<8192x128xbf16>
    %convert_element_type3A_25 = arith.extf %convert_element_type3A : vector<8192x128xbf16> to vector<8192x128xf32>
    %convert_element_type3A_26 = arith.truncf %div3A_14 : vector<1x128xf32> to vector<1x128xbf16>
    %convert_element_type3A_27 = arith.extf %convert_element_type3A_26 : vector<1x128xbf16> to vector<1x128xf32>
    %mul3A_28 = vector.broadcast %convert_element_type3A_27 : vector<1x128xf32> to vector<8192x128xf32>
    %mul3A_29 = arith.mulf %convert_element_type3A_25, %mul3A_28 : vector<8192x128xf32>
    %reduce_sum3A_30 = arith.constant dense<0.000000e+00> : vector<8192xf32>
    %reduce_sum3A_31 = vector.multi_reduction <add>, %mul3A_29, %reduce_sum3A_30 [1] : vector<8192x128xf32> to vector<8192xf32>
    %swap3A = arith.constant 0 : index
    %swap3A_32 = arith.constant 0 : index
    %swap3A_33 = arith.constant 0 : index
    %swap3A_34 = vector.load %arg4[%swap3A, %swap3A_32, %swap3A_33] : memref<1x1x8192xf32, #tpu.memory_space<vmem>>, vector<1x1x8192xf32>
    %swap3A_35 = vector.shape_cast %swap3A_34 : vector<1x1x8192xf32> to vector<8192xf32>
    %swap3A_36 = vector.shape_cast %reduce_sum3A_31 : vector<8192xf32> to vector<1x1x8192xf32>
    tpu.vector_store %arg4[%swap3A, %swap3A_32, %swap3A_33], %swap3A_36 {strides = array<i32>} : memref<1x1x8192xf32, #tpu.memory_space<vmem>>, vector<1x1x8192xf32>,
    return
  }
  func.func @transform_0(%arg0: i32) -> (i32, i32, i32) {
    %c0_i32 = arith.constant 0 : i32
    %c0_i32_0 = arith.constant 0 : i32
    %c0_i32_1 = arith.constant 0 : i32
    return %arg0, %c0_i32, %c0_i32_0 : i32, i32, i32
  }
  func.func @transform_1(%arg0: i32) -> (i32, i32, i32) {
    %c0_i32 = arith.constant 0 : i32
    %c0_i32_0 = arith.constant 0 : i32
    %c0_i32_1 = arith.constant 0 : i32
    return %arg0, %c0_i32, %c0_i32_0 : i32, i32, i32
  }
  func.func @transform_2(%arg0: i32) -> (i32, i32, i32) {
    %c0_i32 = arith.constant 0 : i32
    %c0_i32_0 = arith.constant 0 : i32
    %c0_i32_1 = arith.constant 0 : i32
    return %arg0, %c0_i32, %c0_i32_0 : i32, i32, i32
  }
  func.func @transform_3(%arg0: i32) -> (i32, i32, i32) {
    %c0_i32 = arith.constant 0 : i32
    %c0_i32_0 = arith.constant 0 : i32
    %c0_i32_1 = arith.constant 0 : i32
    return %arg0, %c0_i32, %c0_i32_0 : i32, i32, i32
  }
}

module attributes {stable_mosaic.version = 14 : i64} {
  func.func @_topk_body(%arg0: memref<64x8192xf32, #tpu.memory_space<vmem>>, %arg1: memref<64x64xi32, #tpu.memory_space<vmem>>, %arg2: memref<64x64xi32, #tpu.memory_space<vmem>>, %arg3: memref<64x8192xf32, #tpu.memory_space<vmem>>, %arg4: memref<64x8192xf32, #tpu.memory_space<vmem>>) attributes {dimension_semantics = [], scalar_prefetch = 0 : i64, scratch_operands = 2 : i64, tpu.core_type = #tpu.core_type<tc>} {
    %iota3A = tpu.iota {dimensions = array<i32: 1>} : vector<64x8192xi32>
    %iota3A_0 = tpu.iota {dimensions = array<i32: 1>} : vector<64x64xi32>
    %get3A = arith.constant 0 : index
    %get3A_1 = arith.constant 0 : index
    %get3A_2 = vector.load %arg0[%get3A, %get3A_1] : memref<64x8192xf32, #tpu.memory_space<vmem>>, vector<64x8192xf32>
    %swap3A = arith.constant 0 : index
    %swap3A_3 = arith.constant 0 : index
    %swap3A_4 = vector.load %arg3[%swap3A, %swap3A_3] : memref<64x8192xf32, #tpu.memory_space<vmem>>, vector<64x8192xf32>
    tpu.vector_store %arg3[%swap3A, %swap3A_3], %get3A_2 {strides = array<i32>} : memref<64x8192xf32, #tpu.memory_space<vmem>>, vector<64x8192xf32>,
    %swap3A_5 = arith.constant 0 : index
    %swap3A_6 = arith.constant 0 : index
    %swap3A_7 = vector.load %arg4[%swap3A_5, %swap3A_6] : memref<64x8192xf32, #tpu.memory_space<vmem>>, vector<64x8192xf32>
    tpu.vector_store %arg4[%swap3A_5, %swap3A_6], %get3A_2 {strides = array<i32>} : memref<64x8192xf32, #tpu.memory_space<vmem>>, vector<64x8192xf32>,
    %reduce_max3A = arith.constant dense<0xFF800000> : vector<64xf32>
    %reduce_max3A_8 = vector.multi_reduction <maximumf>, %get3A_2, %reduce_max3A [1] : vector<64x8192xf32> to vector<64xf32>
    %broadcast_in_dim3A = vector.shape_cast %reduce_max3A_8 : vector<64xf32> to vector<64x1xf32>
    %reduce_min3A = arith.constant dense<0x7F800000> : vector<64xf32>
    %reduce_min3A_9 = vector.multi_reduction <minimumf>, %get3A_2, %reduce_min3A [1] : vector<64x8192xf32> to vector<64xf32>
    %broadcast_in_dim3A_10 = vector.shape_cast %reduce_min3A_9 : vector<64xf32> to vector<64x1xf32>
    %broadcast_in_dim3A_11 = arith.constant 0 : i32
    %broadcast_in_dim3A_12 = vector.broadcast %broadcast_in_dim3A_11 : i32 to vector<64x64xi32>
    %scan3A = arith.constant 0x7F800000 : f32
    %scan3A_13 = arith.constant 0 : i32
    %scan3A_14 = arith.constant 64 : i32
    %scan3A_15 = arith.addi %scan3A_13, %scan3A_14 : i32
    %scan3A_16 = arith.constant 1 : i32
    %scan3A_17:4 = scf.for %scan3A_25 = %scan3A_13 to %scan3A_15 step %scan3A_16 iter_args(%scan3A_26 = %broadcast_in_dim3A_12, %scan3A_27 = %broadcast_in_dim3A_12, %scan3A_28 = %broadcast_in_dim3A, %scan3A_29 = %broadcast_in_dim3A_10) -> (vector<64x64xi32>, vector<64x64xi32>, vector<64x1xf32>, vector<64x1xf32>)  : i32 {
      %get3A_30 = arith.constant 0 : index
      %get3A_31 = arith.constant 0 : index
      %get3A_32 = vector.load %arg3[%get3A_30, %get3A_31] : memref<64x8192xf32, #tpu.memory_space<vmem>>, vector<64x8192xf32>
      %get3A_33 = arith.constant 0 : index
      %get3A_34 = arith.constant 0 : index
      %get3A_35 = vector.load %arg4[%get3A_33, %get3A_34] : memref<64x8192xf32, #tpu.memory_space<vmem>>, vector<64x8192xf32>
      %eq3A = vector.broadcast %scan3A_28 : vector<64x1xf32> to vector<64x8192xf32>
      %eq3A_36 = arith.cmpf oeq, %get3A_32, %eq3A : vector<64x8192xf32>
      %jit3A = arith.constant 8192 : i32
      %broadcast_in_dim3A_37 = vector.broadcast %jit3A : i32 to vector<64x8192xi32>
      %select_n3A = arith.select %eq3A_36, %iota3A, %broadcast_in_dim3A_37 : vector<64x8192xi1>, vector<64x8192xi32>
      %reduce_min3A_38 = arith.constant dense<2147483647> : vector<64xi32>
      %reduce_min3A_39 = vector.multi_reduction <minsi>, %select_n3A, %reduce_min3A_38 [1] : vector<64x8192xi32> to vector<64xi32>
      %broadcast_in_dim3A_40 = vector.shape_cast %reduce_min3A_39 : vector<64xi32> to vector<64x1xi32>
      %eq3A_41 = vector.broadcast %scan3A_29 : vector<64x1xf32> to vector<64x8192xf32>
      %eq3A_42 = arith.cmpf oeq, %get3A_35, %eq3A_41 : vector<64x8192xf32>
      %jit3A_43 = arith.constant 8192 : i32
      %broadcast_in_dim3A_44 = vector.broadcast %jit3A_43 : i32 to vector<64x8192xi32>
      %select_n3A_45 = arith.select %eq3A_42, %iota3A, %broadcast_in_dim3A_44 : vector<64x8192xi1>, vector<64x8192xi32>
      %reduce_min3A_46 = arith.constant dense<2147483647> : vector<64xi32>
      %reduce_min3A_47 = vector.multi_reduction <minsi>, %select_n3A_45, %reduce_min3A_46 [1] : vector<64x8192xi32> to vector<64xi32>
      %broadcast_in_dim3A_48 = vector.shape_cast %reduce_min3A_47 : vector<64xi32> to vector<64x1xi32>
      %eq3A_49 = vector.broadcast %broadcast_in_dim3A_40 : vector<64x1xi32> to vector<64x8192xi32>
      %eq3A_50 = arith.cmpi eq, %iota3A, %eq3A_49 : vector<64x8192xi32>
      %neg3A = arith.constant 0.000000e+00 : f32
      %neg3A_51 = arith.subf %neg3A, %scan3A : f32
      %broadcast_in_dim3A_52 = vector.broadcast %neg3A_51 : f32 to vector<64x8192xf32>
      %select_n3A_53 = arith.select %eq3A_50, %broadcast_in_dim3A_52, %get3A_32 : vector<64x8192xi1>, vector<64x8192xf32>
      %eq3A_54 = vector.broadcast %broadcast_in_dim3A_48 : vector<64x1xi32> to vector<64x8192xi32>
      %eq3A_55 = arith.cmpi eq, %iota3A, %eq3A_54 : vector<64x8192xi32>
      %broadcast_in_dim3A_56 = vector.broadcast %scan3A : f32 to vector<64x8192xf32>
      %select_n3A_57 = arith.select %eq3A_55, %broadcast_in_dim3A_56, %get3A_35 : vector<64x8192xi1>, vector<64x8192xf32>
      %swap3A_58 = arith.constant 0 : index
      %swap3A_59 = arith.constant 0 : index
      %swap3A_60 = vector.load %arg3[%swap3A_58, %swap3A_59] : memref<64x8192xf32, #tpu.memory_space<vmem>>, vector<64x8192xf32>
      tpu.vector_store %arg3[%swap3A_58, %swap3A_59], %select_n3A_53 {strides = array<i32>} : memref<64x8192xf32, #tpu.memory_space<vmem>>, vector<64x8192xf32>,
      %swap3A_61 = arith.constant 0 : index
      %swap3A_62 = arith.constant 0 : index
      %swap3A_63 = vector.load %arg4[%swap3A_61, %swap3A_62] : memref<64x8192xf32, #tpu.memory_space<vmem>>, vector<64x8192xf32>
      tpu.vector_store %arg4[%swap3A_61, %swap3A_62], %select_n3A_57 {strides = array<i32>} : memref<64x8192xf32, #tpu.memory_space<vmem>>, vector<64x8192xf32>,
      %reduce_max3A_64 = arith.constant dense<0xFF800000> : vector<64xf32>
      %reduce_max3A_65 = vector.multi_reduction <maximumf>, %select_n3A_53, %reduce_max3A_64 [1] : vector<64x8192xf32> to vector<64xf32>
      %broadcast_in_dim3A_66 = vector.shape_cast %reduce_max3A_65 : vector<64xf32> to vector<64x1xf32>
      %reduce_min3A_67 = arith.constant dense<0x7F800000> : vector<64xf32>
      %reduce_min3A_68 = vector.multi_reduction <minimumf>, %select_n3A_57, %reduce_min3A_67 [1] : vector<64x8192xf32> to vector<64xf32>
      %broadcast_in_dim3A_69 = vector.shape_cast %reduce_min3A_68 : vector<64xf32> to vector<64x1xf32>
      %eq3A_70 = vector.broadcast %scan3A_25 : i32 to vector<64x64xi32>
      %eq3A_71 = arith.cmpi eq, %iota3A_0, %eq3A_70 : vector<64x64xi32>
      %broadcast_in_dim3A_72 = vector.shape_cast %broadcast_in_dim3A_40 : vector<64x1xi32> to vector<64x1xi32>
      %broadcast_in_dim3A_73 = vector.broadcast %broadcast_in_dim3A_72 : vector<64x1xi32> to vector<64x64xi32>
      %select_n3A_74 = arith.select %eq3A_71, %broadcast_in_dim3A_73, %scan3A_26 : vector<64x64xi1>, vector<64x64xi32>
      %broadcast_in_dim3A_75 = vector.shape_cast %broadcast_in_dim3A_48 : vector<64x1xi32> to vector<64x1xi32>
      %broadcast_in_dim3A_76 = vector.broadcast %broadcast_in_dim3A_75 : vector<64x1xi32> to vector<64x64xi32>
      %select_n3A_77 = arith.select %eq3A_71, %broadcast_in_dim3A_76, %scan3A_27 : vector<64x64xi1>, vector<64x64xi32>
      scf.yield %select_n3A_74, %select_n3A_77, %broadcast_in_dim3A_66, %broadcast_in_dim3A_69 : vector<64x64xi32>, vector<64x64xi32>, vector<64x1xf32>, vector<64x1xf32>
    }
    %scan3A_18 = arith.constant 64 : i32
    %swap3A_19 = arith.constant 0 : index
    %swap3A_20 = arith.constant 0 : index
    %swap3A_21 = vector.load %arg1[%swap3A_19, %swap3A_20] : memref<64x64xi32, #tpu.memory_space<vmem>>, vector<64x64xi32>
    tpu.vector_store %arg1[%swap3A_19, %swap3A_20], %scan3A_17#0 {strides = array<i32>} : memref<64x64xi32, #tpu.memory_space<vmem>>, vector<64x64xi32>,
    %swap3A_22 = arith.constant 0 : index
    %swap3A_23 = arith.constant 0 : index
    %swap3A_24 = vector.load %arg2[%swap3A_22, %swap3A_23] : memref<64x64xi32, #tpu.memory_space<vmem>>, vector<64x64xi32>
    tpu.vector_store %arg2[%swap3A_22, %swap3A_23], %scan3A_17#1 {strides = array<i32>} : memref<64x64xi32, #tpu.memory_space<vmem>>, vector<64x64xi32>,
    return
  }
}

</mosaic_0001>

<sc_bundles>
// kernel: kernel.5.cloned.1.call-start
scs
__scs_entry_jumppad:
0x0: {  	(pc) =	sbr.rel $0x88, $3  }
0x1: {  	(tag) =	ssettag $0x0;
	lr =	simm.s32 $0x1  }
0x2: {  	[smem:$0x3F9F] =	sst lr;
	_ =	strace $0xD0000000  }
0x3: {  	_ = 	snop  }
0x4: {  	_ = 	snop  }
0x5: {  	_ = 	snop  }
0x6: {  	_ = 	snop  }
0x7: {  	_ = 	snop  }
__scs_overlays_trampoline_lowered:
0x8: {  	[smem:$0x3FAE] =	sst s0  }
0x9: {  	[smem:$0x3FAF] =	sst s1  }
0xa: {  	[smem:$0x3FB0] =	sst s2  }
0xb: {  	[smem:$0x3FB1] =	sst s3  }
0xc: {  	[smem:$0x3FB2] =	sst s4  }
0xd: {  	[smem:$0x3FB3] =	sst s5  }
0xe: {  	[smem:$0x3FB4] =	sst s6  }
0xf: {  	[smem:$0x3FB5] =	sst s7  }
0x10: {  	[smem:$0x3FB6] =	sst s8  }
0x11: {  	[smem:$0x3FB7] =	sst s9;
	s0 =	simm.s32 @!p0 $0x0  }
0x12: {  	s1 =	sld [smem:$0x3F9D];
	s0 =	simm.s32 @p0 $0x1  }
0x13: {  	[smem:$0x3FB8] =	sst s0;
	s0 =	simm.s32 @!p1 $0x0  }
0x14: {  	s2 =	sld [smem:$0x3F9C];
	s0 =	simm.s32 @p1 $0x1  }
0x15: {  	[smem:$0x3FB9] =	sst s0;
	s0 =	simm.s32 @!p2 $0x0  }
0x16: {  	s3 =	sld [smem:$0x3FDB];
	s0 =	simm.s32 @p2 $0x1  }
0x17: {  	s4 =	simm.s32 $0x1BF5;
	[smem:$0x3FBB] =	sst s0  }
0x18: {  	s0 =	sld [smem:$0x3F9E];
	_ =	swait.ge [sflag:s4], $0x0  }
0x19: {  	s7 =	sld [smem:$0x3F9F]  }
0x1a: {  	s8 =	sadd.s32 $0xFFFFE003, lr  }
0x1b: {  	s9 =	sadd.s32 $0xFFFFFEF7, lr;
	s5 =	simm.s32 $0xFFFFFFFF;
	p2 =	slt.u32 s8, $0xFFFFF086  }
0x1c: {  	p1 =	slt.u32 s9, $0xF7A;
	s5 =	simm.s32 @!p2 $0x0  }
0x1d: {  	s5 =	simm.s32 @p1 $0x1;
	p0 =	seq.s32 s7, s2  }
0x1e: {  	s7 =	smul.u32 @!p0 $0xF7A, s2;
	p2 =	seq.s32 @!p0 s5, $0x0  }
0x1f: {  	s9 =	smul.u32 $0xF7A, s1;
	s8 =	simm.s32 @!p0 $0x1BF5;
	p2 =	por !p2, p0  }
0x20: {  	[sflag:s8] =	ssyncset.s32 @!p0 $0xFFFFF086;
	s6 =	sadd.s32 @!p0 s3, s7;
	s7 =	simm.s32 @!p0 $0x108  }
0x21: {  	s3 =	sadd.s32 s3, s9;
	s6 =	sadd.s32 @!p0 $0x88, s6;
	s7 =	simm.s32 @p2 $0x1082  }
0x22: {  	[simem:s7], [sflag:s8] =	dma.local @!p0 [hbm:s6], $0xF7A  }
0x23: {  	s9 =	sor.u32 $0xD0000000, s2;
	s6 =	simm.s32 $0x108;
	_ =	swait.ge @!p0 [sflag:s8], $0x0  }
0x24: {  	s3 =	sadd.s32 $0x88, s3;
	s6 =	simm.s32 @!p1 $0x1082;
	[sflag:s4] =	ssyncset.s32 $0xFFFFF086  }
0x25: {  	[simem:s6], [sflag:s4] =	dma.local [hbm:s3], $0xF7A  }
0x26: {  	[smem:$0x3F9F] =	sst s1;
	(tag) =	ssettag s2;
	_ =	strace s9  }
0x27: {  	s1 =	sld [smem:$0x3FAF]  }
0x28: {  	s2 =	sld [smem:$0x3FB0]  }
0x29: {  	s4 =	sld [smem:$0x3FB2]  }
0x2a: {  	p0 =	seq.s32 s5, $0x0;
	s5 =	sld [smem:$0x3FB3]  }
0x2b: {  	s6 =	sld [smem:$0x3FB4]  }
0x2c: {  	s7 =	sld [smem:$0x3FB5]  }
0x2d: {  	s3 =	simm.s32 $0x108;
	s8 =	sld [smem:$0x3FB6]  }
0x2e: {  	s3 =	simm.s32 @!p0 $0x1082;
	s9 =	sld [smem:$0x3FB7]  }
0x2f: {  	lr =	sadd.s32 s0, s3;
	s0 =	sld [smem:$0x3FAE]  }
0x30: {  	s3 =	sld [smem:$0x3FB1]  }
0x31: {  	[smem:$0x3FBA] =	sst s10  }
0x32: {  	s10 =	sld [smem:$0x3FB8];
	_ =	sdelay $0x3  }
0x33: {  	p0 =	seq.s32 s10, $0x1;
	s10 =	sld [smem:$0x3FBA];
	_ =	sdelay $0x3  }
0x34: {  	[smem:$0x3FBA] =	sst s10  }
0x35: {  	s10 =	sld [smem:$0x3FB9];
	_ =	sdelay $0x3  }
0x36: {  	p1 =	seq.s32 s10, $0x1;
	s10 =	sld [smem:$0x3FBA];
	_ =	sdelay $0x3  }
0x37: {  	[smem:$0x3FBA] =	sst s10  }
0x38: {  	s10 =	sld [smem:$0x3FBB]  }
0x39: {  	_ = 	snop;
	(pc) =	sbr.ind lr, $3  }
0x3a: {  	_ = 	snop  }
0x3b: {  	_ = 	snop  }
0x3c: {  	p2 =	seq.s32 s10, $0x1;
	s10 =	sld [smem:$0x3FBA]  }
0x3d: {  	_ =	shalt  }
0x3e: {  	_ =	shalt  }
0x3f: {  	_ =	shalt  }
0x40: {  	_ =	shalt  }
0x41: {  	_ =	shalt  }
0x42: {  	_ =	shalt  }
0x43: {  	_ =	shalt  }
0x44: {  	_ =	shalt  }
0x45: {  	_ =	shalt  }
0x46: {  	_ =	shalt  }
0x47: {  	_ =	shalt  }
0x48: {  	_ =	shalt  }
0x49: {  	_ =	shalt  }
0x4a: {  	_ =	shalt  }
0x4b: {  	_ =	shalt  }
0x4c: {  	_ =	shalt  }
0x4d: {  	_ =	shalt  }
0x4e: {  	_ =	shalt  }
0x4f: {  	_ =	shalt  }
0x50: {  	_ =	shalt  }
0x51: {  	_ =	shalt  }
0x52: {  	_ =	shalt  }
0x53: {  	_ =	shalt  }
0x54: {  	_ =	shalt  }
0x55: {  	_ =	shalt  }
0x56: {  	_ =	shalt  }
0x57: {  	_ =	shalt  }
0x58: {  	_ =	shalt  }
0x59: {  	_ =	shalt  }
0x5a: {  	_ =	shalt  }
0x5b: {  	_ =	shalt  }
0x5c: {  	_ =	shalt  }
0x5d: {  	_ =	shalt  }
0x5e: {  	_ =	shalt  }
0x5f: {  	_ =	shalt  }
0x60: {  	_ =	shalt  }
0x61: {  	_ =	shalt  }
0x62: {  	_ =	shalt  }
0x63: {  	_ =	shalt  }
0x64: {  	_ =	shalt  }
0x65: {  	_ =	shalt  }
0x66: {  	_ =	shalt  }
0x67: {  	_ =	shalt  }
0x68: {  	_ =	shalt  }
0x69: {  	_ =	shalt  }
0x6a: {  	_ =	shalt  }
0x6b: {  	_ =	shalt  }
0x6c: {  	_ =	shalt  }
0x6d: {  	_ =	shalt  }
0x6e: {  	_ =	shalt  }
0x6f: {  	_ =	shalt  }
0x70: {  	_ =	shalt  }
0x71: {  	_ =	shalt  }
0x72: {  	_ =	shalt  }
0x73: {  	_ =	shalt  }
0x74: {  	_ =	shalt  }
0x75: {  	_ =	shalt  }
0x76: {  	_ =	shalt  }
0x77: {  	_ =	shalt  }
0x78: {  	_ =	shalt  }
0x79: {  	_ =	shalt  }
0x7a: {  	_ =	shalt  }
0x7b: {  	_ =	shalt  }
0x7c: {  	_ =	shalt  }
0x7d: {  	_ =	shalt  }
0x7e: {  	_ =	shalt  }
0x7f: {  	_ =	shalt  }
0x80: {  	_ =	shalt  }
0x81: {  	_ =	shalt  }
0x82: {  	_ =	shalt  }
0x83: {  	_ =	shalt  }
0x84: {  	_ =	shalt  }
0x85: {  	_ =	shalt  }
0x86: {  	_ =	shalt  }
0x87: {  	_ =	shalt  }
.Lfunc_end0:
.L_simem_size_0:
called_computation_lowered:
.L_overlay_start_0:
0x88: {  	s2 =	sld [smem:$0x3FD9]  }
0x89: {  	s3 =	sld [smem:$0x3FFE];
	_ =	sdelay $0x1  }
0x8a: {  	s1 =	srdreg.scid  }
0x8b: {  	s0 =	sand.u32 $0x1, s1  }
0x8c: {  	s14 =	sshll.u32 s0, $0xA;
	s2 =	sadd.s32 s3, s2  }
0x8d: {  	s2 =	sadd.s32 s2, s14  }
0x8e: {  	[smem:$0x3FC6] =	sst s2  }
0x8f: {  	_ = 	snop  }
0x90: {  	s2 =	sld [smem:$0x3FD0];
	_ =	sdelay $0x2  }
0x91: {  	s4 =	simm.s32 $0xA;
	s5 =	simm.s32 $0x10;
	s15 =	sld [smem:$0x3FC9]  }
0x92: {  	[smem:s5], [sflag:s4] =	dma.local [hbm:s2], $0x1  }
0x93: {  	_ =	swait.eq [sflag:s4], $0x1  }
0x94: {  	[sflag:s4] =	ssyncset.done $0x0  }
0x95: {  	[sflag:s4] =	ssyncadd.s32 $0xFFFFFFFF  }
0x96: {  	s16 =	sld [smem:$0x11];
	(tm) =	ssettm $0x1  }
0x97: {  	s17 =	sld [smem:$0x3FFB];
	_ =	sdelay $0x3  }
0x98: {  	_ =	strace s17  }
0x99: {  	s4 =	sld [smem:$0x3FFC];
	_ =	sdelay $0x3  }
0x9a: {  	_ =	strace s4  }
0x9b: {  	s4 =	sld [smem:$0x3FFD];
	_ =	sdelay $0x3  }
0x9c: {  	_ =	strace s4  }
0x9d: {  	_ =	strace $0x8FFFFFFF  }
0x9e: {  	s18 =	sld [smem:$0x3FDB];
	_ =	sdelay $0x1  }
0x9f: {  	s19 =	simm.s32 $_scs_section_size  }
0xa0: {  	s6 =	simm.s32 $_size__tile_overlayer_lowered;
	s7 =	simm.s32 $_tile_overlayer_lowered  }
0xa1: {  	s22 =	simm.s32 $0x1BFF;
	s21 =	sshll.u32 s7, $0x1;
	s4 =	sadd.s32 s19, s18  }
0xa2: {  	s8 =	simm.s32 $0x0;
	s20 =	sshll.u32 s6, $0x1;
	s6 =	sadd.s32 s21, s4  }
0xa3: {  	[timem:s8], [sflag:s22] =	dma.local [hbm:s6], s20  }
0xa4: {  	_ =	swait.ge [sflag:s22], s20  }
0xa5: {  	s5 =	ssub.s32 $0x0, s20;
	[sflag:s22] =	ssyncset.done $0x0  }
0xa6: {  	[sflag:s22] =	ssyncadd.s32 s5;
	_ =	sdelay $0x1  }
0xa7: {  	s23 =	simm.s32 $0x1B8B  }
0xa8: {  	_ =	swait.ge [sflag:s23], $0x1  }
0xa9: {  	[sflag:s23] =	ssyncset.done $0x0  }
0xaa: {  	s25 =	simm.s32 $0x1B8E;
	s24 =	sld [smem:$0x3FFE];
	[sflag:s23] =	ssyncadd.s32 $0xFFFFFFFF  }
0xab: {  	s26 =	simm.s32 $execute0_lowered;
	[smem:$0x3FD2] =	sst s25  }
0xac: {  	s6 =	sshll.u32 s26, $0x1;
	_ =	strace $0x80000046;
	[dreg:$0x1] =	wrdreg $0xFFFFFFFF  }
0xad: {  	s28 =	simm.s32 $_size_execute0_lowered;
	s4 =	sadd.s32 s4, s6;
	[dreg:$0x0] =	wrdreg $0x0  }
0xae: {  	s6 =	sshll.u32 s28, $0x1;
	[dreg:$0x2] =	wrdreg s4  }
0xaf: {  	[dreg:$0x3] =	wrdreg s6  }
0xb0: {  	[dreg:$0x4] =	wrdreg $0xC0  }
0xb1: {  	_ =	task [dreg:s8], $0x5FFFF  }
0xb2: {  	[dreg:$0x1] =	wrdreg $0xFFFFFFFF  }
0xb3: {  	[dreg:$0x0] =	wrdreg $0x60  }
0xb4: {  	[dreg:$0x2] =	wrdreg s15  }
0xb5: {  	[dreg:$0x3] =	wrdreg s16  }
0xb6: {  	[dreg:$0x4] =	wrdreg s24  }
0xb7: {  	[dreg:$0x5] =	wrdreg $0x9  }
0xb8: {  	_ =	task.clear_ibuf [dreg:s8], $0x6FFFF;
	_ =	strace $0x90000046  }
0xb9: {  	s29 =	simm.s32 $0x9;
	_ =	strace $0x80000048  }
0xba: {  	_ =	swait.ge [sflag:s29], $0x1  }
0xbb: {  	[sflag:s29] =	ssyncadd.s32 $0xFFFFFFFF  }
0xbc: {  	_ =	strace $0x90000048  }
0xbd: {  	_ =	sfence  }
0xbe: {  	s30 =	sld [smem:$0x0];
	_ =	sdelay $0x2  }
0xbf: {  	s31 =	sshll.u32 s1, $0xD;
	s1 =	sshrl.u32 s1, $0x2  }
0xc0: {  	s3 =	sand.u32 $0x4000, s31;
	s1 =	sadd.s32 s1, s30  }
0xc1: {  	s0 =	sor.u32 s3, s0;
	s1 =	sshll.u32 s1, $0x11  }
0xc2: {  	s0 =	sor.u32 s1, s0  }
0xc3: {  	s0 =	sadd.s32 $0x8F2B, s0  }
0xc4: {  	[sflag:s0] =	ssyncadd.remote.s32 $0x1  }
0xc5: {  	_ =	sfence.sel $0xFFFF  }
0xc6: {  	[dreg:$0x0] =	wrdreg $0xFFFFFFFF;
	(pc) =	sbr.abs _section_cstart, $3  }
0xc7: {  	[dreg:$0x1] =	wrdreg $0xFFFFFFFF  }
0xc8: {  	_ =	task.clear_ibuf [dreg:s8], $0x2FFFF;
	_ =	strace $0x9FFFFFFF  }
0xc9: {  	(tm) =	ssettm $0x7FFFFFFF  }
tec
execute0_lowered:
.L_overlay_start_1:
0x0: {  	(tag) =	ssettag $0x1  }
0x1: {  	s1 =	rddreg [dreg:$0x0];
	s2 =	srdreg.scid  }
0x2: {  	s4 =	rddreg [dreg:$0x1];
	s0 =	stileid.u32  }
0x3: {  	s8 =	rddreg [dreg:$0x2];
	s3 =	simm.s32 $0x0;
	s6 =	sand.u32 $0x1, s2  }
0x4: {  	s5 =	sshll.u32 s0, $0x9;
	s2 =	rddreg [dreg:$0x3];
	s7 =	sshll.u32 s6, $0x8  }
0x5: {  	[smem:$0x7FF] =	sst s3;
	s9 =	sor.u32 s7, s5  }
0x6: {  	_ =	strace $0x80000047;
	s10 =	ssub.s32 $0x2, s6;
	s5 =	sshrl.u32 s9, $0x3  }
0x7: {  	s6 =	simm.s32 $0x100;
	s5 =	sadd.s32 s4, s5;
	s4 =	simm.s32 $0x2  }
0x8: {  	[tilespmem:s3], [sflag:$0x2] =	stream.linear.gather [hbm4b:s5+s3], $0x100, $0x38;
	[tilespmem:$0x8100] =	vst v63  }
0x9: {  	s7 =	simm.s32 $0x1;
	s11 =	sshrl.u32 s10, $0x1;
	_ =	swait.ge [sflag:s4], $0x100  }
0xa: {  	s9 =	sshll.u32 s9, $0x4;
	s31 =	ssub.s32 s10, s11;
	[sflag:s4] =	ssyncset.done $0x0  }
0xb: {  	s8 =	sadd.s32 s9, s8;
	s9 =	smax.u32 s31, $0x1;
	[sflag:s4] =	ssyncadd.s32 $0xFFFFFF00  }
0xc: {  	[tilespmem:s6], [sflag:$0x1] =	stream.indirect.gather [hbm4b:s1+s6], $0x80, s3, s6, $0xb8;
	[tilespmem:$0x8100] =	vst v63  }
0xd: {  	p0 =	sne.s32 s9, $0x1;
	_ =	swait.ge [sflag:s7], $0x8000  }
.Ltmp0:
0xe: {  	[sflag:s7] =	ssyncset.done $0x0;
	(pc) =	sbr.rel @!p0 .LBB2_2-.Ltmp0, $4  }
0xf: {  	s8 =	sadd.s32 $0xA00, s8;
	[sflag:s7] =	ssyncadd.s32 $0xFFFF8000  }
0x10: {  	[hbm4b:s8+s3] =	stream.linear.scatter [tilespmem:s6], [sflag:$0x2], $0x8000, $0x38;
	[tilespmem:$0x8100] =	vst v63  }
0x11: {  	_ =	swait.ge [sflag:s4], $0x8000  }
0x12: {  	s9 =	sadd.s32 $0xFFFFFFFF, s9;
	[sflag:s4] =	ssyncset.done $0x0  }
.LBB2_1:
0x13: {  	p0 =	sne.s32 s9, $0x1;
	s9 =	sadd.s32 $0xFFFFFFFF, s9;
	[sflag:s4] =	ssyncadd.s32 $0xFFFF8000  }
0x14: {  	[tilespmem:s3], [sflag:$0x2] =	stream.linear.gather [hbm4b:s5+s3], $0x100, $0x38;
	[tilespmem:$0x8100] =	vst v63  }
0x15: {  	_ =	swait.ge [sflag:s4], $0x100  }
0x16: {  	[sflag:s4] =	ssyncset.done $0x0  }
0x17: {  	[sflag:s4] =	ssyncadd.s32 $0xFFFFFF00  }
0x18: {  	[tilespmem:s6], [sflag:$0x1] =	stream.indirect.gather [hbm4b:s1+s6], $0x80, s3, s6, $0xb8;
	[tilespmem:$0x8100] =	vst v63  }
0x19: {  	_ =	swait.ge [sflag:s7], $0x8000  }
.Ltmp1:
0x1a: {  	[sflag:s7] =	ssyncset.done $0x0;
	(pc) =	sbr.rel @p0 .LBB2_1-.Ltmp1, $4  }
0x1b: {  	[sflag:s7] =	ssyncadd.s32 $0xFFFF8000  }
0x1c: {  	[hbm4b:s8+s3] =	stream.linear.scatter [tilespmem:s6], [sflag:$0x2], $0x8000, $0x38;
	[tilespmem:$0x8100] =	vst v63  }
0x1d: {  	_ =	swait.ge [sflag:s4], $0x8000  }
0x1e: {  	[sflag:s4] =	ssyncset.done $0x0  }
.LBB2_2:
0x1f: {  	[sflag:s4] =	ssyncadd.s32 $0xFFFF8000  }
0x20: {  	_ =	sfence.sel $0x180000  }
0x21: {  	[bflag:$0x0] =	sbarrier.arrive $0xFFFF  }
0x22: {  	p0 =	sne.s32 s0, $0x0;
	_ =	strace $0x90000047  }
0x23: {  	s0 =	sadd.s32 @!p0 $0x100000, s2;
	[bflag:$0x2] =	sbarrier.arrive $0xFFFF  }
0x24: {  	[sflag:s0] =	ssyncadd.tile.s32 @!p0 $0x1;
	_ =	shalt  }
.Lfunc_end2:
_tile_overlayer_lowered:
.L_overlay_start_2:
0x25: {  	(tag) =	ssettag $0x2  }
0x26: {  	s0 =	rddreg [dreg:$0x0];
	s2 =	stileid.u32  }
0x27: {  	s1 =	rddreg [dreg:$0x1];
	p0 =	sne.s32 s2, $0x0  }
0x28: {  	s3 =	rddreg [dreg:$0x2];
	[bflag:$0x3] =	sbarrier.arrive $0xFFFF;
	s2 =	simm.s32 @!p0 $0x1C02  }
0x29: {  	[timem:s3], [sflag:s2] =	dma.local @!p0 [hbm:s0], s1  }
0x2a: {  	s0 =	simm.s32 @!p0 $0x2  }
0x2b: {  	_ =	swait.ge @!p0 [sflag:s0], s1  }
0x2c: {  	s1 =	ssub.s32 @!p0 $0x0, s1;
	[sflag:s0] =	ssyncset.done @!p0 $0x0  }
0x2d: {  	[sflag:s0] =	ssyncadd.s32 @!p0 s1  }
0x2e: {  	[bflag:$0x3] =	sbarrier.arrive $0xFFFF  }
0x2f: {  	_ =	shalt  }

</sc_bundles>
